<compile_context>
chip_gen: v7x
topology: tpu7x:2x2x1
jax: 0.10.2.dev20260603
libtpu: 0.0.44.dev20260713+nightly
codegen_flags: <defaults>
</compile_context>

<pallas_src>
import functools

import jax
import jax.numpy as jnp
from jax import lax
from jax.experimental import pallas as pl
from jax.experimental.pallas import tpu as pltpu
from jax.experimental.pallas import tpu_sc as plsc

_NC = 2
_NS = 16
_NW = _NC * _NS
_LW = 128


def _gather_mean(emb, idx3, ctx, rows_per_w, chunks):
  v, d = emb.shape
  b = _NW * rows_per_w
  per_w = chunks * _LW
  mesh = plsc.VectorSubcoreMesh(core_axis_name="c", subcore_axis_name="s")

  @functools.partial(
      pl.kernel,
      mesh=mesh,
      compiler_params=pltpu.CompilerParams(use_tc_tiling_on_sc=False),
      out_type=jax.ShapeDtypeStruct((b, d), jnp.float32),
      scratch_types=[
          pltpu.VMEM((chunks, _LW), jnp.int32),
          pltpu.VMEM((per_w, d), jnp.float32),
          pltpu.VMEM((rows_per_w, d), jnp.float32),
          pltpu.SemaphoreType.DMA,
      ],
  )
  def body(emb_hbm, idx_hbm, out_hbm, idx_v, rows_v, hid_v, sem):
    wid = lax.axis_index("s") * _NC + lax.axis_index("c")
    pltpu.sync_copy(idx_hbm.at[wid], idx_v)
    for j in range(chunks):
      pltpu.async_copy(emb_hbm.at[idx_v.at[j]],
                       rows_v.at[pl.ds(j * _LW, _LW)], sem)
    for j in range(chunks):
      pltpu.make_async_copy(emb_hbm.at[idx_v.at[j]],
                            rows_v.at[pl.ds(j * _LW, _LW)], sem).wait()
    inv = jnp.float32(1.0 / ctx)

    def row_body(r, carry):
      base = r * ctx
      acc = rows_v[base, :]
      for j in range(1, ctx):
        acc = acc + rows_v[base + j, :]
      hid_v[r, :] = acc * inv
      return carry

    lax.fori_loop(0, rows_per_w, row_body, 0)
    pltpu.sync_copy(hid_v, out_hbm.at[pl.ds(wid * rows_per_w, rows_per_w)])

  return body(emb, idx3)


def _fused_body(nv, nvalid_last, wt_ref, h_ref, o_ref, m_sc, s_sc):
  p = pl.program_id(0)
  j = pl.program_id(1)

  lg = lax.dot_general(wt_ref[...], h_ref[...], (((0,), (0,)), ((), ())),
                       preferred_element_type=jnp.float32)

  @pl.when(p == 0)
  def _stats():
    @pl.when(j == 0)
    def _init():
      m_sc[...] = jnp.full(m_sc.shape, -jnp.inf, m_sc.dtype)
      s_sc[...] = jnp.zeros(s_sc.shape, s_sc.dtype)

    def upd(lgx):
      mp = jnp.max(lgx, axis=0, keepdims=True)
      m_old = m_sc[0:1, :]
      m_new = jnp.maximum(m_old, mp)
      s_new = (s_sc[0:1, :] * jnp.exp(m_old - m_new)
               + jnp.sum(jnp.exp(lgx - m_new), axis=0, keepdims=True))
      m_sc[0:1, :] = m_new
      s_sc[0:1, :] = s_new
      return m_new, s_new

    @pl.when(j < nv - 1)
    def _plain():
      upd(lg)

    @pl.when(j == nv - 1)
    def _last():
      row = lax.broadcasted_iota(jnp.int32, lg.shape, 0)
      m_new, s_new = upd(jnp.where(row < nvalid_last, lg, -jnp.inf))
      m_sc[0:1, :] = m_new + jnp.log(s_new)

  @pl.when(p == 1)
  def _write():
    o_ref[...] = lg - m_sc[0:1, :]


def _stats_body(nv, nvalid_last, wt_ref, h_ref, lse_ref, m_sc, s_sc):
  j = pl.program_id(0)

  @pl.when(j == 0)
  def _init():
    m_sc[...] = jnp.full(m_sc.shape, -jnp.inf, m_sc.dtype)
    s_sc[...] = jnp.zeros(s_sc.shape, s_sc.dtype)

  lg = lax.dot_general(wt_ref[...], h_ref[...], (((0,), (0,)), ((), ())),
                       preferred_element_type=jnp.float32)

  def upd(lgx):
    mp = jnp.max(lgx, axis=0, keepdims=True)
    m_old = m_sc[0:1, :]
    m_new = jnp.maximum(m_old, mp)
    s_new = (s_sc[0:1, :] * jnp.exp(m_old - m_new)
             + jnp.sum(jnp.exp(lgx - m_new), axis=0, keepdims=True))
    m_sc[0:1, :] = m_new
    s_sc[0:1, :] = s_new
    return m_new, s_new

  @pl.when(j < nv - 1)
  def _plain():
    upd(lg)

  @pl.when(j == nv - 1)
  def _last():
    row = lax.broadcasted_iota(jnp.int32, lg.shape, 0)
    m_new, s_new = upd(jnp.where(row < nvalid_last, lg, -jnp.inf))
    lse_ref[...] = jnp.broadcast_to(m_new + jnp.log(s_new), lse_ref.shape)


def _write_body(wt_ref, h_ref, lse_ref, o_ref):
  lg = lax.dot_general(wt_ref[...], h_ref[...], (((0,), (0,)), ((), ())),
                       preferred_element_type=jnp.float32)
  o_ref[...] = lg - lse_ref[0:1, :]


def kernel(inputs, emb, W_out):
  b, ctx = inputs.shape
  v, d = emb.shape
  total = b * ctx
  per_w = total // _NW
  chunks = per_w // _LW
  rows_per_w = b // _NW

  idx3 = inputs.astype(jnp.int32).reshape(_NW, chunks, _LW)
  hidden = _gather_mean(emb, idx3, ctx, rows_per_w, chunks)
  h_bf = hidden.astype(jnp.bfloat16)
  h_t = h_bf.T
  wt = W_out.T.astype(jnp.bfloat16)

  v_blk = 4096
  nv = pl.cdiv(v, v_blk)
  nvalid_last = v - (nv - 1) * v_blk
  lse_row = pl.pallas_call(
      functools.partial(_stats_body, nv, nvalid_last),
      grid=(nv,),
      in_specs=[
          pl.BlockSpec((d, v_blk), lambda j: (0, j)),
          pl.BlockSpec((d, b), lambda j: (0, 0)),
      ],
      out_specs=pl.BlockSpec((8, b), lambda j: (0, 0)),
      out_shape=jax.ShapeDtypeStruct((8, b), jnp.float32),
      scratch_shapes=[
          pltpu.VMEM((8, b), jnp.float32),
          pltpu.VMEM((8, b), jnp.float32),
      ],
  )(wt, h_t)

  w_blk = 2048
  out_t = pl.pallas_call(
      _write_body,
      grid=(pl.cdiv(v, w_blk),),
      in_specs=[
          pl.BlockSpec((d, w_blk), lambda j: (0, j)),
          pl.BlockSpec((d, b), lambda j: (0, 0)),
          pl.BlockSpec((8, b), lambda j: (0, 0)),
      ],
      out_specs=pl.BlockSpec((w_blk, b), lambda j: (j, 0)),
      out_shape=jax.ShapeDtypeStruct((v, b), jnp.float32),
  )(wt, h_t, lse_row)
  return out_t.T

# --- scband reference (transcript-rebuilt; emitter-appended) ---
"""Pipeline reference for scband-cbow-model-6287832121406 (READ-ONLY COPY).

The authoritative reference and input builder live on the scoring server;
editing this copy changes nothing except your own understanding.
"""

import jax, jax.numpy as jnp
import numpy as np

VOCAB = 100000
EMBED_DIM = 16
BATCH = 1024
CTX = 20


def setup_inputs(seed: int = 0) -> dict:
    key = jax.random.key(seed)
    k_idx, k_emb, k_w = jax.random.split(key, 3)
    inputs = jax.random.randint(k_idx, (BATCH, CTX), 0, VOCAB, dtype=jnp.int64 if jax.config.jax_enable_x64 else jnp.int32)
    emb = jax.random.normal(k_emb, (VOCAB, EMBED_DIM), dtype=jnp.float32) * 0.02
    W_out = jax.random.normal(k_w, (VOCAB, EMBED_DIM), dtype=jnp.float32) * 0.02
    return {"inputs": inputs, "emb": emb, "W_out": W_out}


def reference(inputs, emb, W_out):
    # embeds = self.embeddings(inputs)  -> gather rows of the embedding table
    embeds = jnp.take(emb, inputs, axis=0)            # [B, CTX, D]
    # hidden = embeds.mean(dim=1)
    hidden = embeds.mean(axis=1)                      # [B, D]
    # output = self.output(hidden)  (Linear, bias=False, weight [vocab, D])
    output = hidden @ W_out.T                         # [B, vocab]
    # log_probs = F.log_softmax(output, dim=-1)
    log_probs = jax.nn.log_softmax(output, axis=-1)
    return log_probs

if __name__ == "__main__":
    import jax
    _d = setup_inputs()
    print(jax.jit(kernel)(*tuple(_d.values())))

</pallas_src>

<mosaic_0001>
#map = affine_map<(d0, d1) -> (0, 0)>
#map1 = affine_map<(d0, d1) -> (0, 0, 0)>
module attributes {stable_mosaic.version = 14 : i64} {
  func.func @body(%arg0: i32, %arg1: i32, %arg2: memref<100000x16xf32, #tpu.memory_space<hbm>>, %arg3: memref<32x5x128xi32, #tpu.memory_space<hbm>>, %arg4: memref<1024x16xf32, #tpu.memory_space<hbm>>, %arg5: memref<5x128xi32, #tpu.memory_space<vmem>>, %arg6: memref<640x16xf32, #tpu.memory_space<vmem>>, %arg7: memref<32x16xf32, #tpu.memory_space<vmem>>, %arg8: memref<!tpu.dma_semaphore, #tpu.memory_space<semaphore_mem>>) attributes {dimension_semantics = [#tpu.dimension_semantics<core_parallel>, #tpu.dimension_semantics<subcore_parallel>], iteration_bounds = array<i64: 2, 16>, scalar_prefetch = 0 : i64, scratch_operands = 4 : i64, tpu.core_type = #tpu.core_type<sc_vector_subcore>, window_params = [{transform_indices = #map}, {transform_indices = #map1}, {transform_indices = #map}]} {
    %mul3A = arith.constant 2 : i32
    %mul3A_0 = arith.muli %arg1, %mul3A : i32
    %add3A = arith.addi %mul3A_0, %arg0 : i32
    "tpu.region"() ({
      %run_scoped3A = tpu.sem_alloc : memref<!tpu.dma_semaphore, #tpu.memory_space<semaphore_mem>>
      %dma_start3A_107 = arith.constant 0 : i32
      %dma_start3A_108 = arith.constant 0 : i32
      %dma_start3A_109 = tpu.memref_slice %arg3[%add3A, %dma_start3A_107, %dma_start3A_108] : memref<32x5x128xi32, #tpu.memory_space<hbm>> -> memref<1x5x128xi32, #tpu.memory_space<hbm>>
      %dma_start3A_110 = tpu.memref_squeeze %dma_start3A_109 : memref<1x5x128xi32, #tpu.memory_space<hbm>> -> memref<5x128xi32, #tpu.memory_space<hbm>>
      %dma_start3A_111 = arith.constant 0 : i32
      %dma_start3A_112 = arith.constant 0 : i32
      %dma_start3A_113 = tpu.memref_slice %arg3[%add3A, %dma_start3A_111, %dma_start3A_112] : memref<32x5x128xi32, #tpu.memory_space<hbm>> -> memref<1x5x128xi32, #tpu.memory_space<hbm>>
      %dma_start3A_114 = tpu.memref_squeeze %dma_start3A_113 : memref<1x5x128xi32, #tpu.memory_space<hbm>> -> memref<5x128xi32, #tpu.memory_space<hbm>>
      tpu.enqueue_dma source(%dma_start3A_114 : memref<5x128xi32, #tpu.memory_space<hbm>>) target(%arg5 : memref<5x128xi32, #tpu.memory_space<vmem>>) target_semaphore(%run_scoped3A : memref<!tpu.dma_semaphore, #tpu.memory_space<semaphore_mem>>)
      %dma_wait3A_115 = arith.constant 0 : i32
      %dma_wait3A_116 = arith.constant 0 : i32
      %dma_wait3A_117 = tpu.memref_slice %arg3[%add3A, %dma_wait3A_115, %dma_wait3A_116] : memref<32x5x128xi32, #tpu.memory_space<hbm>> -> memref<1x5x128xi32, #tpu.memory_space<hbm>>
      %dma_wait3A_118 = tpu.memref_squeeze %dma_wait3A_117 : memref<1x5x128xi32, #tpu.memory_space<hbm>> -> memref<5x128xi32, #tpu.memory_space<hbm>>
      %dma_wait3A_119 = arith.constant 0 : i32
      %dma_wait3A_120 = arith.constant 0 : i32
      %dma_wait3A_121 = tpu.memref_slice %arg3[%add3A, %dma_wait3A_119, %dma_wait3A_120] : memref<32x5x128xi32, #tpu.memory_space<hbm>> -> memref<1x5x128xi32, #tpu.memory_space<hbm>>
      %dma_wait3A_122 = tpu.memref_squeeze %dma_wait3A_121 : memref<1x5x128xi32, #tpu.memory_space<hbm>> -> memref<5x128xi32, #tpu.memory_space<hbm>>
      tpu.wait_dma2 semaphore(%run_scoped3A : memref<!tpu.dma_semaphore, #tpu.memory_space<semaphore_mem>>) src(%dma_wait3A_122 : memref<5x128xi32, #tpu.memory_space<hbm>>) dst(%arg5 : memref<5x128xi32, #tpu.memory_space<vmem>>)
      tpu.yield
    }) : () -> ()
    %dma_start3A = arith.constant 0 : i32
    %dma_start3A_1 = arith.constant 0 : i32
    %dma_start3A_2 = arith.constant 0 : i32
    %dma_start3A_3 = tpu.memref_slice %arg6[%dma_start3A_1, %dma_start3A_2] : memref<640x16xf32, #tpu.memory_space<vmem>> -> memref<128x16xf32, #tpu.memory_space<vmem>>
    %dma_start3A_4 = arith.constant 0 : i32
    %dma_start3A_5 = tpu.memref_slice %arg5[%dma_start3A, %dma_start3A_4] : memref<5x128xi32, #tpu.memory_space<vmem>> -> memref<1x128xi32, #tpu.memory_space<vmem>>
    %dma_start3A_6 = tpu.memref_squeeze %dma_start3A_5 : memref<1x128xi32, #tpu.memory_space<vmem>> -> memref<128xi32, #tpu.memory_space<vmem>>
    %dma_start3A_7 = arith.constant 0 : i32
    %dma_start3A_8 = arith.constant 0 : i32
    %dma_start3A_9 = tpu.memref_slice %arg2[%dma_start3A_7, %dma_start3A_8] : memref<100000x16xf32, #tpu.memory_space<hbm>> -> memref<100000x16xf32, #tpu.memory_space<hbm>>
    tpu.enqueue_indirect_dma source(%dma_start3A_9 : memref<100000x16xf32, #tpu.memory_space<hbm>>) target(%dma_start3A_3 : memref<128x16xf32, #tpu.memory_space<vmem>>) offsets(%dma_start3A_6 : memref<128xi32, #tpu.memory_space<vmem>>) semaphore(%arg8 : memref<!tpu.dma_semaphore, #tpu.memory_space<semaphore_mem>>)
    %dma_start3A_10 = arith.constant 1 : i32
    %dma_start3A_11 = arith.constant 128 : i32
    %dma_start3A_12 = arith.constant 0 : i32
    %dma_start3A_13 = tpu.memref_slice %arg6[%dma_start3A_11, %dma_start3A_12] : memref<640x16xf32, #tpu.memory_space<vmem>> -> memref<128x16xf32, #tpu.memory_space<vmem>>
    %dma_start3A_14 = arith.constant 0 : i32
    %dma_start3A_15 = tpu.memref_slice %arg5[%dma_start3A_10, %dma_start3A_14] : memref<5x128xi32, #tpu.memory_space<vmem>> -> memref<1x128xi32, #tpu.memory_space<vmem>>
    %dma_start3A_16 = tpu.memref_squeeze %dma_start3A_15 : memref<1x128xi32, #tpu.memory_space<vmem>> -> memref<128xi32, #tpu.memory_space<vmem>>
    %dma_start3A_17 = arith.constant 0 : i32
    %dma_start3A_18 = arith.constant 0 : i32
    %dma_start3A_19 = tpu.memref_slice %arg2[%dma_start3A_17, %dma_start3A_18] : memref<100000x16xf32, #tpu.memory_space<hbm>> -> memref<100000x16xf32, #tpu.memory_space<hbm>>
    tpu.enqueue_indirect_dma source(%dma_start3A_19 : memref<100000x16xf32, #tpu.memory_space<hbm>>) target(%dma_start3A_13 : memref<128x16xf32, #tpu.memory_space<vmem>>) offsets(%dma_start3A_16 : memref<128xi32, #tpu.memory_space<vmem>>) semaphore(%arg8 : memref<!tpu.dma_semaphore, #tpu.memory_space<semaphore_mem>>)
    %dma_start3A_20 = arith.constant 2 : i32
    %dma_start3A_21 = arith.constant 256 : i32
    %dma_start3A_22 = arith.constant 0 : i32
    %dma_start3A_23 = tpu.memref_slice %arg6[%dma_start3A_21, %dma_start3A_22] : memref<640x16xf32, #tpu.memory_space<vmem>> -> memref<128x16xf32, #tpu.memory_space<vmem>>
    %dma_start3A_24 = arith.constant 0 : i32
    %dma_start3A_25 = tpu.memref_slice %arg5[%dma_start3A_20, %dma_start3A_24] : memref<5x128xi32, #tpu.memory_space<vmem>> -> memref<1x128xi32, #tpu.memory_space<vmem>>
    %dma_start3A_26 = tpu.memref_squeeze %dma_start3A_25 : memref<1x128xi32, #tpu.memory_space<vmem>> -> memref<128xi32, #tpu.memory_space<vmem>>
    %dma_start3A_27 = arith.constant 0 : i32
    %dma_start3A_28 = arith.constant 0 : i32
    %dma_start3A_29 = tpu.memref_slice %arg2[%dma_start3A_27, %dma_start3A_28] : memref<100000x16xf32, #tpu.memory_space<hbm>> -> memref<100000x16xf32, #tpu.memory_space<hbm>>
    tpu.enqueue_indirect_dma source(%dma_start3A_29 : memref<100000x16xf32, #tpu.memory_space<hbm>>) target(%dma_start3A_23 : memref<128x16xf32, #tpu.memory_space<vmem>>) offsets(%dma_start3A_26 : memref<128xi32, #tpu.memory_space<vmem>>) semaphore(%arg8 : memref<!tpu.dma_semaphore, #tpu.memory_space<semaphore_mem>>)
    %dma_start3A_30 = arith.constant 3 : i32
    %dma_start3A_31 = arith.constant 384 : i32
    %dma_start3A_32 = arith.constant 0 : i32
    %dma_start3A_33 = tpu.memref_slice %arg6[%dma_start3A_31, %dma_start3A_32] : memref<640x16xf32, #tpu.memory_space<vmem>> -> memref<128x16xf32, #tpu.memory_space<vmem>>
    %dma_start3A_34 = arith.constant 0 : i32
    %dma_start3A_35 = tpu.memref_slice %arg5[%dma_start3A_30, %dma_start3A_34] : memref<5x128xi32, #tpu.memory_space<vmem>> -> memref<1x128xi32, #tpu.memory_space<vmem>>
    %dma_start3A_36 = tpu.memref_squeeze %dma_start3A_35 : memref<1x128xi32, #tpu.memory_space<vmem>> -> memref<128xi32, #tpu.memory_space<vmem>>
    %dma_start3A_37 = arith.constant 0 : i32
    %dma_start3A_38 = arith.constant 0 : i32
    %dma_start3A_39 = tpu.memref_slice %arg2[%dma_start3A_37, %dma_start3A_38] : memref<100000x16xf32, #tpu.memory_space<hbm>> -> memref<100000x16xf32, #tpu.memory_space<hbm>>
    tpu.enqueue_indirect_dma source(%dma_start3A_39 : memref<100000x16xf32, #tpu.memory_space<hbm>>) target(%dma_start3A_33 : memref<128x16xf32, #tpu.memory_space<vmem>>) offsets(%dma_start3A_36 : memref<128xi32, #tpu.memory_space<vmem>>) semaphore(%arg8 : memref<!tpu.dma_semaphore, #tpu.memory_space<semaphore_mem>>)
    %dma_start3A_40 = arith.constant 4 : i32
    %dma_start3A_41 = arith.constant 512 : i32
    %dma_start3A_42 = arith.constant 0 : i32
    %dma_start3A_43 = tpu.memref_slice %arg6[%dma_start3A_41, %dma_start3A_42] : memref<640x16xf32, #tpu.memory_space<vmem>> -> memref<128x16xf32, #tpu.memory_space<vmem>>
    %dma_start3A_44 = arith.constant 0 : i32
    %dma_start3A_45 = tpu.memref_slice %arg5[%dma_start3A_40, %dma_start3A_44] : memref<5x128xi32, #tpu.memory_space<vmem>> -> memref<1x128xi32, #tpu.memory_space<vmem>>
    %dma_start3A_46 = tpu.memref_squeeze %dma_start3A_45 : memref<1x128xi32, #tpu.memory_space<vmem>> -> memref<128xi32, #tpu.memory_space<vmem>>
    %dma_start3A_47 = arith.constant 0 : i32
    %dma_start3A_48 = arith.constant 0 : i32
    %dma_start3A_49 = tpu.memref_slice %arg2[%dma_start3A_47, %dma_start3A_48] : memref<100000x16xf32, #tpu.memory_space<hbm>> -> memref<100000x16xf32, #tpu.memory_space<hbm>>
    tpu.enqueue_indirect_dma source(%dma_start3A_49 : memref<100000x16xf32, #tpu.memory_space<hbm>>) target(%dma_start3A_43 : memref<128x16xf32, #tpu.memory_space<vmem>>) offsets(%dma_start3A_46 : memref<128xi32, #tpu.memory_space<vmem>>) semaphore(%arg8 : memref<!tpu.dma_semaphore, #tpu.memory_space<semaphore_mem>>)
    %dma_wait3A = arith.constant 0 : i32
    %dma_wait3A_50 = arith.constant 0 : i32
    %dma_wait3A_51 = arith.constant 0 : i32
    %dma_wait3A_52 = tpu.memref_slice %arg6[%dma_wait3A_50, %dma_wait3A_51] : memref<640x16xf32, #tpu.memory_space<vmem>> -> memref<128x16xf32, #tpu.memory_space<vmem>>
    %dma_wait3A_53 = arith.constant 0 : i32
    %dma_wait3A_54 = tpu.memref_slice %arg5[%dma_wait3A, %dma_wait3A_53] : memref<5x128xi32, #tpu.memory_space<vmem>> -> memref<1x128xi32, #tpu.memory_space<vmem>>
    %dma_wait3A_55 = tpu.memref_squeeze %dma_wait3A_54 : memref<1x128xi32, #tpu.memory_space<vmem>> -> memref<128xi32, #tpu.memory_space<vmem>>
    %dma_wait3A_56 = arith.constant 0 : i32
    %dma_wait3A_57 = arith.constant 0 : i32
    %dma_wait3A_58 = tpu.memref_slice %arg2[%dma_wait3A_56, %dma_wait3A_57] : memref<100000x16xf32, #tpu.memory_space<hbm>> -> memref<100000x16xf32, #tpu.memory_space<hbm>>
    tpu.wait_indirect_dma semaphore(%arg8 : memref<!tpu.dma_semaphore, #tpu.memory_space<semaphore_mem>>) src(%dma_wait3A_58 : memref<100000x16xf32, #tpu.memory_space<hbm>>) dst(%dma_wait3A_52 : memref<128x16xf32, #tpu.memory_space<vmem>>)
    %dma_wait3A_59 = arith.constant 1 : i32
    %dma_wait3A_60 = arith.constant 128 : i32
    %dma_wait3A_61 = arith.constant 0 : i32
    %dma_wait3A_62 = tpu.memref_slice %arg6[%dma_wait3A_60, %dma_wait3A_61] : memref<640x16xf32, #tpu.memory_space<vmem>> -> memref<128x16xf32, #tpu.memory_space<vmem>>
    %dma_wait3A_63 = arith.constant 0 : i32
    %dma_wait3A_64 = tpu.memref_slice %arg5[%dma_wait3A_59, %dma_wait3A_63] : memref<5x128xi32, #tpu.memory_space<vmem>> -> memref<1x128xi32, #tpu.memory_space<vmem>>
    %dma_wait3A_65 = tpu.memref_squeeze %dma_wait3A_64 : memref<1x128xi32, #tpu.memory_space<vmem>> -> memref<128xi32, #tpu.memory_space<vmem>>
    %dma_wait3A_66 = arith.constant 0 : i32
    %dma_wait3A_67 = arith.constant 0 : i32
    %dma_wait3A_68 = tpu.memref_slice %arg2[%dma_wait3A_66, %dma_wait3A_67] : memref<100000x16xf32, #tpu.memory_space<hbm>> -> memref<100000x16xf32, #tpu.memory_space<hbm>>
    tpu.wait_indirect_dma semaphore(%arg8 : memref<!tpu.dma_semaphore, #tpu.memory_space<semaphore_mem>>) src(%dma_wait3A_68 : memref<100000x16xf32, #tpu.memory_space<hbm>>) dst(%dma_wait3A_62 : memref<128x16xf32, #tpu.memory_space<vmem>>)
    %dma_wait3A_69 = arith.constant 2 : i32
    %dma_wait3A_70 = arith.constant 256 : i32
    %dma_wait3A_71 = arith.constant 0 : i32
    %dma_wait3A_72 = tpu.memref_slice %arg6[%dma_wait3A_70, %dma_wait3A_71] : memref<640x16xf32, #tpu.memory_space<vmem>> -> memref<128x16xf32, #tpu.memory_space<vmem>>
    %dma_wait3A_73 = arith.constant 0 : i32
    %dma_wait3A_74 = tpu.memref_slice %arg5[%dma_wait3A_69, %dma_wait3A_73] : memref<5x128xi32, #tpu.memory_space<vmem>> -> memref<1x128xi32, #tpu.memory_space<vmem>>
    %dma_wait3A_75 = tpu.memref_squeeze %dma_wait3A_74 : memref<1x128xi32, #tpu.memory_space<vmem>> -> memref<128xi32, #tpu.memory_space<vmem>>
    %dma_wait3A_76 = arith.constant 0 : i32
    %dma_wait3A_77 = arith.constant 0 : i32
    %dma_wait3A_78 = tpu.memref_slice %arg2[%dma_wait3A_76, %dma_wait3A_77] : memref<100000x16xf32, #tpu.memory_space<hbm>> -> memref<100000x16xf32, #tpu.memory_space<hbm>>
    tpu.wait_indirect_dma semaphore(%arg8 : memref<!tpu.dma_semaphore, #tpu.memory_space<semaphore_mem>>) src(%dma_wait3A_78 : memref<100000x16xf32, #tpu.memory_space<hbm>>) dst(%dma_wait3A_72 : memref<128x16xf32, #tpu.memory_space<vmem>>)
    %dma_wait3A_79 = arith.constant 3 : i32
    %dma_wait3A_80 = arith.constant 384 : i32
    %dma_wait3A_81 = arith.constant 0 : i32
    %dma_wait3A_82 = tpu.memref_slice %arg6[%dma_wait3A_80, %dma_wait3A_81] : memref<640x16xf32, #tpu.memory_space<vmem>> -> memref<128x16xf32, #tpu.memory_space<vmem>>
    %dma_wait3A_83 = arith.constant 0 : i32
    %dma_wait3A_84 = tpu.memref_slice %arg5[%dma_wait3A_79, %dma_wait3A_83] : memref<5x128xi32, #tpu.memory_space<vmem>> -> memref<1x128xi32, #tpu.memory_space<vmem>>
    %dma_wait3A_85 = tpu.memref_squeeze %dma_wait3A_84 : memref<1x128xi32, #tpu.memory_space<vmem>> -> memref<128xi32, #tpu.memory_space<vmem>>
    %dma_wait3A_86 = arith.constant 0 : i32
    %dma_wait3A_87 = arith.constant 0 : i32
    %dma_wait3A_88 = tpu.memref_slice %arg2[%dma_wait3A_86, %dma_wait3A_87] : memref<100000x16xf32, #tpu.memory_space<hbm>> -> memref<100000x16xf32, #tpu.memory_space<hbm>>
    tpu.wait_indirect_dma semaphore(%arg8 : memref<!tpu.dma_semaphore, #tpu.memory_space<semaphore_mem>>) src(%dma_wait3A_88 : memref<100000x16xf32, #tpu.memory_space<hbm>>) dst(%dma_wait3A_82 : memref<128x16xf32, #tpu.memory_space<vmem>>)
    %dma_wait3A_89 = arith.constant 4 : i32
    %dma_wait3A_90 = arith.constant 512 : i32
    %dma_wait3A_91 = arith.constant 0 : i32
    %dma_wait3A_92 = tpu.memref_slice %arg6[%dma_wait3A_90, %dma_wait3A_91] : memref<640x16xf32, #tpu.memory_space<vmem>> -> memref<128x16xf32, #tpu.memory_space<vmem>>
    %dma_wait3A_93 = arith.constant 0 : i32
    %dma_wait3A_94 = tpu.memref_slice %arg5[%dma_wait3A_89, %dma_wait3A_93] : memref<5x128xi32, #tpu.memory_space<vmem>> -> memref<1x128xi32, #tpu.memory_space<vmem>>
    %dma_wait3A_95 = tpu.memref_squeeze %dma_wait3A_94 : memref<1x128xi32, #tpu.memory_space<vmem>> -> memref<128xi32, #tpu.memory_space<vmem>>
    %dma_wait3A_96 = arith.constant 0 : i32
    %dma_wait3A_97 = arith.constant 0 : i32
    %dma_wait3A_98 = tpu.memref_slice %arg2[%dma_wait3A_96, %dma_wait3A_97] : memref<100000x16xf32, #tpu.memory_space<hbm>> -> memref<100000x16xf32, #tpu.memory_space<hbm>>
    tpu.wait_indirect_dma semaphore(%arg8 : memref<!tpu.dma_semaphore, #tpu.memory_space<semaphore_mem>>) src(%dma_wait3A_98 : memref<100000x16xf32, #tpu.memory_space<hbm>>) dst(%dma_wait3A_92 : memref<128x16xf32, #tpu.memory_space<vmem>>)
    %scan3A = arith.constant 0 : i32
    %scan3A_99 = arith.constant 5.000000e-02 : f32
    %scan3A_100 = arith.constant 0 : i32
    %scan3A_101 = arith.constant 32 : i32
    %scan3A_102 = arith.addi %scan3A_100, %scan3A_101 : i32
    %scan3A_103 = arith.constant 1 : i32
    scf.for %scan3A_107 = %scan3A_100 to %scan3A_102 step %scan3A_103  : i32 {
      %mul3A_108 = arith.constant 20 : i32
      %mul3A_109 = arith.muli %scan3A_107, %mul3A_108 : i32
      %get3A = arith.index_cast %mul3A_109 : i32 to index
      %get3A_110 = arith.constant 0 : index
      %get3A_111 = tpu.vector_load %arg6[%get3A, %get3A_110] {strides = array<i32>} : memref<640x16xf32, #tpu.memory_space<vmem>>, vector<1x16xf32>,
      %get3A_112 = vector.shape_cast %get3A_111 : vector<1x16xf32> to vector<16xf32>
      %add3A_113 = arith.constant 1 : i32
      %add3A_114 = arith.addi %mul3A_109, %add3A_113 : i32
      %get3A_115 = arith.index_cast %add3A_114 : i32 to index
      %get3A_116 = arith.constant 0 : index
      %get3A_117 = tpu.vector_load %arg6[%get3A_115, %get3A_116] {strides = array<i32>} : memref<640x16xf32, #tpu.memory_space<vmem>>, vector<1x16xf32>,
      %get3A_118 = vector.shape_cast %get3A_117 : vector<1x16xf32> to vector<16xf32>
      %add3A_119 = arith.addf %get3A_112, %get3A_118 : vector<16xf32>
      %add3A_120 = arith.constant 2 : i32
      %add3A_121 = arith.addi %mul3A_109, %add3A_120 : i32
      %get3A_122 = arith.index_cast %add3A_121 : i32 to index
      %get3A_123 = arith.constant 0 : index
      %get3A_124 = tpu.vector_load %arg6[%get3A_122, %get3A_123] {strides = array<i32>} : memref<640x16xf32, #tpu.memory_space<vmem>>, vector<1x16xf32>,
      %get3A_125 = vector.shape_cast %get3A_124 : vector<1x16xf32> to vector<16xf32>
      %add3A_126 = arith.addf %add3A_119, %get3A_125 : vector<16xf32>
      %add3A_127 = arith.constant 3 : i32
      %add3A_128 = arith.addi %mul3A_109, %add3A_127 : i32
      %get3A_129 = arith.index_cast %add3A_128 : i32 to index
      %get3A_130 = arith.constant 0 : index
      %get3A_131 = tpu.vector_load %arg6[%get3A_129, %get3A_130] {strides = array<i32>} : memref<640x16xf32, #tpu.memory_space<vmem>>, vector<1x16xf32>,
      %get3A_132 = vector.shape_cast %get3A_131 : vector<1x16xf32> to vector<16xf32>
      %add3A_133 = arith.addf %add3A_126, %get3A_132 : vector<16xf32>
      %add3A_134 = arith.constant 4 : i32
      %add3A_135 = arith.addi %mul3A_109, %add3A_134 : i32
      %get3A_136 = arith.index_cast %add3A_135 : i32 to index
      %get3A_137 = arith.constant 0 : index
      %get3A_138 = tpu.vector_load %arg6[%get3A_136, %get3A_137] {strides = array<i32>} : memref<640x16xf32, #tpu.memory_space<vmem>>, vector<1x16xf32>,
      %get3A_139 = vector.shape_cast %get3A_138 : vector<1x16xf32> to vector<16xf32>
      %add3A_140 = arith.addf %add3A_133, %get3A_139 : vector<16xf32>
      %add3A_141 = arith.constant 5 : i32
      %add3A_142 = arith.addi %mul3A_109, %add3A_141 : i32
      %get3A_143 = arith.index_cast %add3A_142 : i32 to index
      %get3A_144 = arith.constant 0 : index
      %get3A_145 = tpu.vector_load %arg6[%get3A_143, %get3A_144] {strides = array<i32>} : memref<640x16xf32, #tpu.memory_space<vmem>>, vector<1x16xf32>,
      %get3A_146 = vector.shape_cast %get3A_145 : vector<1x16xf32> to vector<16xf32>
      %add3A_147 = arith.addf %add3A_140, %get3A_146 : vector<16xf32>
      %add3A_148 = arith.constant 6 : i32
      %add3A_149 = arith.addi %mul3A_109, %add3A_148 : i32
      %get3A_150 = arith.index_cast %add3A_149 : i32 to index
      %get3A_151 = arith.constant 0 : index
      %get3A_152 = tpu.vector_load %arg6[%get3A_150, %get3A_151] {strides = array<i32>} : memref<640x16xf32, #tpu.memory_space<vmem>>, vector<1x16xf32>,
      %get3A_153 = vector.shape_cast %get3A_152 : vector<1x16xf32> to vector<16xf32>
      %add3A_154 = arith.addf %add3A_147, %get3A_153 : vector<16xf32>
      %add3A_155 = arith.constant 7 : i32
      %add3A_156 = arith.addi %mul3A_109, %add3A_155 : i32
      %get3A_157 = arith.index_cast %add3A_156 : i32 to index
      %get3A_158 = arith.constant 0 : index
      %get3A_159 = tpu.vector_load %arg6[%get3A_157, %get3A_158] {strides = array<i32>} : memref<640x16xf32, #tpu.memory_space<vmem>>, vector<1x16xf32>,
      %get3A_160 = vector.shape_cast %get3A_159 : vector<1x16xf32> to vector<16xf32>
      %add3A_161 = arith.addf %add3A_154, %get3A_160 : vector<16xf32>
      %add3A_162 = arith.constant 8 : i32
      %add3A_163 = arith.addi %mul3A_109, %add3A_162 : i32
      %get3A_164 = arith.index_cast %add3A_163 : i32 to index
      %get3A_165 = arith.constant 0 : index
      %get3A_166 = tpu.vector_load %arg6[%get3A_164, %get3A_165] {strides = array<i32>} : memref<640x16xf32, #tpu.memory_space<vmem>>, vector<1x16xf32>,
      %get3A_167 = vector.shape_cast %get3A_166 : vector<1x16xf32> to vector<16xf32>
      %add3A_168 = arith.addf %add3A_161, %get3A_167 : vector<16xf32>
      %add3A_169 = arith.constant 9 : i32
      %add3A_170 = arith.addi %mul3A_109, %add3A_169 : i32
      %get3A_171 = arith.index_cast %add3A_170 : i32 to index
      %get3A_172 = arith.constant 0 : index
      %get3A_173 = tpu.vector_load %arg6[%get3A_171, %get3A_172] {strides = array<i32>} : memref<640x16xf32, #tpu.memory_space<vmem>>, vector<1x16xf32>,
      %get3A_174 = vector.shape_cast %get3A_173 : vector<1x16xf32> to vector<16xf32>
      %add3A_175 = arith.addf %add3A_168, %get3A_174 : vector<16xf32>
      %add3A_176 = arith.constant 10 : i32
      %add3A_177 = arith.addi %mul3A_109, %add3A_176 : i32
      %get3A_178 = arith.index_cast %add3A_177 : i32 to index
      %get3A_179 = arith.constant 0 : index
      %get3A_180 = tpu.vector_load %arg6[%get3A_178, %get3A_179] {strides = array<i32>} : memref<640x16xf32, #tpu.memory_space<vmem>>, vector<1x16xf32>,
      %get3A_181 = vector.shape_cast %get3A_180 : vector<1x16xf32> to vector<16xf32>
      %add3A_182 = arith.addf %add3A_175, %get3A_181 : vector<16xf32>
      %add3A_183 = arith.constant 11 : i32
      %add3A_184 = arith.addi %mul3A_109, %add3A_183 : i32
      %get3A_185 = arith.index_cast %add3A_184 : i32 to index
      %get3A_186 = arith.constant 0 : index
      %get3A_187 = tpu.vector_load %arg6[%get3A_185, %get3A_186] {strides = array<i32>} : memref<640x16xf32, #tpu.memory_space<vmem>>, vector<1x16xf32>,
      %get3A_188 = vector.shape_cast %get3A_187 : vector<1x16xf32> to vector<16xf32>
      %add3A_189 = arith.addf %add3A_182, %get3A_188 : vector<16xf32>
      %add3A_190 = arith.constant 12 : i32
      %add3A_191 = arith.addi %mul3A_109, %add3A_190 : i32
      %get3A_192 = arith.index_cast %add3A_191 : i32 to index
      %get3A_193 = arith.constant 0 : index
      %get3A_194 = tpu.vector_load %arg6[%get3A_192, %get3A_193] {strides = array<i32>} : memref<640x16xf32, #tpu.memory_space<vmem>>, vector<1x16xf32>,
      %get3A_195 = vector.shape_cast %get3A_194 : vector<1x16xf32> to vector<16xf32>
      %add3A_196 = arith.addf %add3A_189, %get3A_195 : vector<16xf32>
      %add3A_197 = arith.constant 13 : i32
      %add3A_198 = arith.addi %mul3A_109, %add3A_197 : i32
      %get3A_199 = arith.index_cast %add3A_198 : i32 to index
      %get3A_200 = arith.constant 0 : index
      %get3A_201 = tpu.vector_load %arg6[%get3A_199, %get3A_200] {strides = array<i32>} : memref<640x16xf32, #tpu.memory_space<vmem>>, vector<1x16xf32>,
      %get3A_202 = vector.shape_cast %get3A_201 : vector<1x16xf32> to vector<16xf32>
      %add3A_203 = arith.addf %add3A_196, %get3A_202 : vector<16xf32>
      %add3A_204 = arith.constant 14 : i32
      %add3A_205 = arith.addi %mul3A_109, %add3A_204 : i32
      %get3A_206 = arith.index_cast %add3A_205 : i32 to index
      %get3A_207 = arith.constant 0 : index
      %get3A_208 = tpu.vector_load %arg6[%get3A_206, %get3A_207] {strides = array<i32>} : memref<640x16xf32, #tpu.memory_space<vmem>>, vector<1x16xf32>,
      %get3A_209 = vector.shape_cast %get3A_208 : vector<1x16xf32> to vector<16xf32>
      %add3A_210 = arith.addf %add3A_203, %get3A_209 : vector<16xf32>
      %add3A_211 = arith.constant 15 : i32
      %add3A_212 = arith.addi %mul3A_109, %add3A_211 : i32
      %get3A_213 = arith.index_cast %add3A_212 : i32 to index
      %get3A_214 = arith.constant 0 : index
      %get3A_215 = tpu.vector_load %arg6[%get3A_213, %get3A_214] {strides = array<i32>} : memref<640x16xf32, #tpu.memory_space<vmem>>, vector<1x16xf32>,
      %get3A_216 = vector.shape_cast %get3A_215 : vector<1x16xf32> to vector<16xf32>
      %add3A_217 = arith.addf %add3A_210, %get3A_216 : vector<16xf32>
      %add3A_218 = arith.constant 16 : i32
      %add3A_219 = arith.addi %mul3A_109, %add3A_218 : i32
      %get3A_220 = arith.index_cast %add3A_219 : i32 to index
      %get3A_221 = arith.constant 0 : index
      %get3A_222 = tpu.vector_load %arg6[%get3A_220, %get3A_221] {strides = array<i32>} : memref<640x16xf32, #tpu.memory_space<vmem>>, vector<1x16xf32>,
      %get3A_223 = vector.shape_cast %get3A_222 : vector<1x16xf32> to vector<16xf32>
      %add3A_224 = arith.addf %add3A_217, %get3A_223 : vector<16xf32>
      %add3A_225 = arith.constant 17 : i32
      %add3A_226 = arith.addi %mul3A_109, %add3A_225 : i32
      %get3A_227 = arith.index_cast %add3A_226 : i32 to index
      %get3A_228 = arith.constant 0 : index
      %get3A_229 = tpu.vector_load %arg6[%get3A_227, %get3A_228] {strides = array<i32>} : memref<640x16xf32, #tpu.memory_space<vmem>>, vector<1x16xf32>,
      %get3A_230 = vector.shape_cast %get3A_229 : vector<1x16xf32> to vector<16xf32>
      %add3A_231 = arith.addf %add3A_224, %get3A_230 : vector<16xf32>
      %add3A_232 = arith.constant 18 : i32
      %add3A_233 = arith.addi %mul3A_109, %add3A_232 : i32
      %get3A_234 = arith.index_cast %add3A_233 : i32 to index
      %get3A_235 = arith.constant 0 : index
      %get3A_236 = tpu.vector_load %arg6[%get3A_234, %get3A_235] {strides = array<i32>} : memref<640x16xf32, #tpu.memory_space<vmem>>, vector<1x16xf32>,
      %get3A_237 = vector.shape_cast %get3A_236 : vector<1x16xf32> to vector<16xf32>
      %add3A_238 = arith.addf %add3A_231, %get3A_237 : vector<16xf32>
      %add3A_239 = arith.constant 19 : i32
      %add3A_240 = arith.addi %mul3A_109, %add3A_239 : i32
      %get3A_241 = arith.index_cast %add3A_240 : i32 to index
      %get3A_242 = arith.constant 0 : index
      %get3A_243 = tpu.vector_load %arg6[%get3A_241, %get3A_242] {strides = array<i32>} : memref<640x16xf32, #tpu.memory_space<vmem>>, vector<1x16xf32>,
      %get3A_244 = vector.shape_cast %get3A_243 : vector<1x16xf32> to vector<16xf32>
      %add3A_245 = arith.addf %add3A_238, %get3A_244 : vector<16xf32>
      %mul3A_246 = vector.broadcast %scan3A_99 : f32 to vector<16xf32>
      %mul3A_247 = arith.mulf %add3A_245, %mul3A_246 : vector<16xf32>
      %swap3A = arith.index_cast %scan3A_107 : i32 to index
      %swap3A_248 = arith.constant 0 : index
      %swap3A_249 = tpu.vector_load %arg7[%swap3A, %swap3A_248] {strides = array<i32>} : memref<32x16xf32, #tpu.memory_space<vmem>>, vector<1x16xf32>,
      %swap3A_250 = vector.shape_cast %swap3A_249 : vector<1x16xf32> to vector<16xf32>
      %swap3A_251 = vector.shape_cast %mul3A_247 : vector<16xf32> to vector<1x16xf32>
      tpu.vector_store %arg7[%swap3A, %swap3A_248], %swap3A_251 {strides = array<i32>} : memref<32x16xf32, #tpu.memory_space<vmem>>, vector<1x16xf32>,
    }
    %scan3A_104 = arith.constant 32 : i32
    %mul3A_105 = arith.constant 32 : i32
    %mul3A_106 = arith.muli %add3A, %mul3A_105 : i32
    "tpu.region"() ({
      %run_scoped3A = tpu.sem_alloc : memref<!tpu.dma_semaphore, #tpu.memory_space<semaphore_mem>>
      %dma_start3A_107 = arith.constant 0 : i32
      %dma_start3A_108 = tpu.memref_slice %arg4[%mul3A_106, %dma_start3A_107] : memref<1024x16xf32, #tpu.memory_space<hbm>> -> memref<32x16xf32, #tpu.memory_space<hbm>>
      %dma_start3A_109 = arith.constant 0 : i32
      %dma_start3A_110 = tpu.memref_slice %arg4[%mul3A_106, %dma_start3A_109] : memref<1024x16xf32, #tpu.memory_space<hbm>> -> memref<32x16xf32, #tpu.memory_space<hbm>>
      tpu.enqueue_dma source(%arg7 : memref<32x16xf32, #tpu.memory_space<vmem>>) target(%dma_start3A_110 : memref<32x16xf32, #tpu.memory_space<hbm>>) target_semaphore(%run_scoped3A : memref<!tpu.dma_semaphore, #tpu.memory_space<semaphore_mem>>)
      %dma_wait3A_111 = arith.constant 0 : i32
      %dma_wait3A_112 = tpu.memref_slice %arg4[%mul3A_106, %dma_wait3A_111] : memref<1024x16xf32, #tpu.memory_space<hbm>> -> memref<32x16xf32, #tpu.memory_space<hbm>>
      %dma_wait3A_113 = arith.constant 0 : i32
      %dma_wait3A_114 = tpu.memref_slice %arg4[%mul3A_106, %dma_wait3A_113] : memref<1024x16xf32, #tpu.memory_space<hbm>> -> memref<32x16xf32, #tpu.memory_space<hbm>>
      tpu.wait_dma2 semaphore(%run_scoped3A : memref<!tpu.dma_semaphore, #tpu.memory_space<semaphore_mem>>) src(%arg7 : memref<32x16xf32, #tpu.memory_space<vmem>>) dst(%dma_wait3A_114 : memref<32x16xf32, #tpu.memory_space<hbm>>)
      tpu.yield
    }) : () -> ()
    return
  }
}

module attributes {stable_mosaic.version = 14 : i64} {
  func.func @_stats_body(%arg0: i32, %arg1: memref<16x4096xbf16, #tpu.memory_space<vmem>>, %arg2: memref<16x1024xbf16, #tpu.memory_space<vmem>>, %arg3: memref<8x1024xf32, #tpu.memory_space<vmem>>, %arg4: memref<8x1024xf32, #tpu.memory_space<vmem>>, %arg5: memref<8x1024xf32, #tpu.memory_space<vmem>>) attributes {dimension_semantics = [#tpu.dimension_semantics<arbitrary>], iteration_bounds = array<i64: 25>, scalar_prefetch = 0 : i64, scratch_operands = 2 : i64, tpu.core_type = #tpu.core_type<tc>, window_params = [{transform_indices = @transform_0, window_bounds = array<i64: 16, 4096>}, {pipeline_mode = #tpu.pipeline_mode<synchronous>, transform_indices = @transform_1, window_bounds = array<i64: 16, 1024>}, {pipeline_mode = #tpu.pipeline_mode<synchronous>, transform_indices = @transform_2, window_bounds = array<i64: 8, 1024>}]} {
    %eq3A = arith.constant 0 : i32
    %eq3A_0 = arith.cmpi eq, %arg0, %eq3A : i32
    %convert_element_type3A = arith.extui %eq3A_0 : i1 to i32
    %cond3A = arith.constant 0 : i32
    %cond3A_1 = arith.cmpi ne, %convert_element_type3A, %cond3A : i32
    scf.if %cond3A_1 {
      %broadcast_in_dim3A = arith.constant 0xFF800000 : f32
      %broadcast_in_dim3A_17 = vector.broadcast %broadcast_in_dim3A : f32 to vector<8x1024xf32>
      %swap3A = arith.constant 0 : index
      %swap3A_18 = arith.constant 0 : index
      %swap3A_19 = vector.load %arg4[%swap3A, %swap3A_18] : memref<8x1024xf32, #tpu.memory_space<vmem>>, vector<8x1024xf32>
      tpu.vector_store %arg4[%swap3A, %swap3A_18], %broadcast_in_dim3A_17 {strides = array<i32>} : memref<8x1024xf32, #tpu.memory_space<vmem>>, vector<8x1024xf32>,
      %broadcast_in_dim3A_20 = arith.constant 0.000000e+00 : f32
      %broadcast_in_dim3A_21 = vector.broadcast %broadcast_in_dim3A_20 : f32 to vector<8x1024xf32>
      %swap3A_22 = arith.constant 0 : index
      %swap3A_23 = arith.constant 0 : index
      %swap3A_24 = vector.load %arg5[%swap3A_22, %swap3A_23] : memref<8x1024xf32, #tpu.memory_space<vmem>>, vector<8x1024xf32>
      tpu.vector_store %arg5[%swap3A_22, %swap3A_23], %broadcast_in_dim3A_21 {strides = array<i32>} : memref<8x1024xf32, #tpu.memory_space<vmem>>, vector<8x1024xf32>,
    } else {
    }
    %get3A = arith.constant 0 : index
    %get3A_2 = arith.constant 0 : index
    %get3A_3 = vector.load %arg1[%get3A, %get3A_2] : memref<16x4096xbf16, #tpu.memory_space<vmem>>, vector<16x4096xbf16>
    %get3A_4 = arith.constant 0 : index
    %get3A_5 = arith.constant 0 : index
    %get3A_6 = vector.load %arg2[%get3A_4, %get3A_5] : memref<16x1024xbf16, #tpu.memory_space<vmem>>, vector<16x1024xbf16>
    %dot_general3A = arith.constant dense<0.000000e+00> : vector<4096x1024xf32>
    %dot_general3A_7 = tpu.matmul %get3A_3, %get3A_6, %dot_general3A {dimension_numbers = #tpu.dot_dimension_numbers<[0], [0], [1], [1], [0, 1, 1, 1], [], []>, transpose_lhs_hint = false} : vector<16x4096xbf16>, vector<16x1024xbf16>, vector<4096x1024xf32> -> vector<4096x1024xf32>
    %lt3A = arith.constant 24 : i32
    %lt3A_8 = arith.cmpi slt, %arg0, %lt3A : i32
    %convert_element_type3A_9 = arith.extui %lt3A_8 : i1 to i32
    %cond3A_10 = arith.constant 0 : i32
    %cond3A_11 = arith.cmpi ne, %convert_element_type3A_9, %cond3A_10 : i32
    scf.if %cond3A_11 {
      %reduce_max3A = arith.constant dense<0xFF800000> : vector<1024xf32>
      %reduce_max3A_17 = vector.multi_reduction <maximumf>, %dot_general3A_7, %reduce_max3A [0] : vector<4096x1024xf32> to vector<1024xf32>
      %broadcast_in_dim3A = vector.shape_cast %reduce_max3A_17 : vector<1024xf32> to vector<1x1024xf32>
      %get3A_18 = arith.constant 0 : index
      %get3A_19 = arith.constant 0 : index
      %get3A_20 = vector.load %arg4[%get3A_18, %get3A_19] : memref<8x1024xf32, #tpu.memory_space<vmem>>, vector<1x1024xf32>
      %max3A = arith.maximumf %get3A_20, %broadcast_in_dim3A : vector<1x1024xf32>
      %get3A_21 = arith.constant 0 : index
      %get3A_22 = arith.constant 0 : index
      %get3A_23 = vector.load %arg5[%get3A_21, %get3A_22] : memref<8x1024xf32, #tpu.memory_space<vmem>>, vector<1x1024xf32>
      %sub3A = arith.subf %get3A_20, %max3A : vector<1x1024xf32>
      %exp3A = math.exp %sub3A : vector<1x1024xf32>
      %mul3A = arith.mulf %get3A_23, %exp3A : vector<1x1024xf32>
      %sub3A_24 = vector.broadcast %max3A : vector<1x1024xf32> to vector<4096x1024xf32>
      %sub3A_25 = arith.subf %dot_general3A_7, %sub3A_24 : vector<4096x1024xf32>
      %exp3A_26 = math.exp %sub3A_25 : vector<4096x1024xf32>
      %reduce_sum3A = arith.constant dense<0.000000e+00> : vector<1024xf32>
      %reduce_sum3A_27 = vector.multi_reduction <add>, %exp3A_26, %reduce_sum3A [0] : vector<4096x1024xf32> to vector<1024xf32>
      %broadcast_in_dim3A_28 = vector.shape_cast %reduce_sum3A_27 : vector<1024xf32> to vector<1x1024xf32>
      %add3A = arith.addf %mul3A, %broadcast_in_dim3A_28 : vector<1x1024xf32>
      %swap3A = arith.constant 0 : index
      %swap3A_29 = arith.constant 0 : index
      %swap3A_30 = vector.load %arg4[%swap3A, %swap3A_29] : memref<8x1024xf32, #tpu.memory_space<vmem>>, vector<1x1024xf32>
      tpu.vector_store %arg4[%swap3A, %swap3A_29], %max3A {strides = array<i32>} : memref<8x1024xf32, #tpu.memory_space<vmem>>, vector<1x1024xf32>,
      %swap3A_31 = arith.constant 0 : index
      %swap3A_32 = arith.constant 0 : index
      %swap3A_33 = vector.load %arg5[%swap3A_31, %swap3A_32] : memref<8x1024xf32, #tpu.memory_space<vmem>>, vector<1x1024xf32>
      tpu.vector_store %arg5[%swap3A_31, %swap3A_32], %add3A {strides = array<i32>} : memref<8x1024xf32, #tpu.memory_space<vmem>>, vector<1x1024xf32>,
    } else {
    }
    %eq3A_12 = arith.constant 24 : i32
    %eq3A_13 = arith.cmpi eq, %arg0, %eq3A_12 : i32
    %convert_element_type3A_14 = arith.extui %eq3A_13 : i1 to i32
    %cond3A_15 = arith.constant 0 : i32
    %cond3A_16 = arith.cmpi ne, %convert_element_type3A_14, %cond3A_15 : i32
    scf.if %cond3A_16 {
      %iota3A = tpu.iota {dimensions = array<i32: 0>} : vector<4096x1024xi32>
      %lt3A_17 = arith.constant 1696 : i32
      %lt3A_18 = vector.broadcast %lt3A_17 : i32 to vector<4096x1024xi32>
      %lt3A_19 = arith.cmpi slt, %iota3A, %lt3A_18 : vector<4096x1024xi32>
      %jit3A = arith.constant 0xFF800000 : f32
      %broadcast_in_dim3A = vector.broadcast %jit3A : f32 to vector<4096x1024xf32>
      %select_n3A = arith.select %lt3A_19, %dot_general3A_7, %broadcast_in_dim3A : vector<4096x1024xi1>, vector<4096x1024xf32>
      %reduce_max3A = arith.constant dense<0xFF800000> : vector<1024xf32>
      %reduce_max3A_20 = vector.multi_reduction <maximumf>, %select_n3A, %reduce_max3A [0] : vector<4096x1024xf32> to vector<1024xf32>
      %broadcast_in_dim3A_21 = vector.shape_cast %reduce_max3A_20 : vector<1024xf32> to vector<1x1024xf32>
      %get3A_22 = arith.constant 0 : index
      %get3A_23 = arith.constant 0 : index
      %get3A_24 = vector.load %arg4[%get3A_22, %get3A_23] : memref<8x1024xf32, #tpu.memory_space<vmem>>, vector<1x1024xf32>
      %max3A = arith.maximumf %get3A_24, %broadcast_in_dim3A_21 : vector<1x1024xf32>
      %get3A_25 = arith.constant 0 : index
      %get3A_26 = arith.constant 0 : index
      %get3A_27 = vector.load %arg5[%get3A_25, %get3A_26] : memref<8x1024xf32, #tpu.memory_space<vmem>>, vector<1x1024xf32>
      %sub3A = arith.subf %get3A_24, %max3A : vector<1x1024xf32>
      %exp3A = math.exp %sub3A : vector<1x1024xf32>
      %mul3A = arith.mulf %get3A_27, %exp3A : vector<1x1024xf32>
      %sub3A_28 = vector.broadcast %max3A : vector<1x1024xf32> to vector<4096x1024xf32>
      %sub3A_29 = arith.subf %select_n3A, %sub3A_28 : vector<4096x1024xf32>
      %exp3A_30 = math.exp %sub3A_29 : vector<4096x1024xf32>
      %reduce_sum3A = arith.constant dense<0.000000e+00> : vector<1024xf32>
      %reduce_sum3A_31 = vector.multi_reduction <add>, %exp3A_30, %reduce_sum3A [0] : vector<4096x1024xf32> to vector<1024xf32>
      %broadcast_in_dim3A_32 = vector.shape_cast %reduce_sum3A_31 : vector<1024xf32> to vector<1x1024xf32>
      %add3A = arith.addf %mul3A, %broadcast_in_dim3A_32 : vector<1x1024xf32>
      %swap3A = arith.constant 0 : index
      %swap3A_33 = arith.constant 0 : index
      %swap3A_34 = vector.load %arg4[%swap3A, %swap3A_33] : memref<8x1024xf32, #tpu.memory_space<vmem>>, vector<1x1024xf32>
      tpu.vector_store %arg4[%swap3A, %swap3A_33], %max3A {strides = array<i32>} : memref<8x1024xf32, #tpu.memory_space<vmem>>, vector<1x1024xf32>,
      %swap3A_35 = arith.constant 0 : index
      %swap3A_36 = arith.constant 0 : index
      %swap3A_37 = vector.load %arg5[%swap3A_35, %swap3A_36] : memref<8x1024xf32, #tpu.memory_space<vmem>>, vector<1x1024xf32>
      tpu.vector_store %arg5[%swap3A_35, %swap3A_36], %add3A {strides = array<i32>} : memref<8x1024xf32, #tpu.memory_space<vmem>>, vector<1x1024xf32>,
      %log3A = math.log %add3A : vector<1x1024xf32>
      %add3A_38 = arith.addf %max3A, %log3A : vector<1x1024xf32>
      %broadcast_in_dim3A_39 = vector.shape_cast %add3A_38 : vector<1x1024xf32> to vector<1x1024xf32>
      %broadcast_in_dim3A_40 = vector.broadcast %broadcast_in_dim3A_39 : vector<1x1024xf32> to vector<8x1024xf32>
      %swap3A_41 = arith.constant 0 : index
      %swap3A_42 = arith.constant 0 : index
      %swap3A_43 = vector.load %arg3[%swap3A_41, %swap3A_42] : memref<8x1024xf32, #tpu.memory_space<vmem>>, vector<8x1024xf32>
      tpu.vector_store %arg3[%swap3A_41, %swap3A_42], %broadcast_in_dim3A_40 {strides = array<i32>} : memref<8x1024xf32, #tpu.memory_space<vmem>>, vector<8x1024xf32>,
    } else {
    }
    return
  }
  func.func @transform_0(%arg0: i32) -> (i32, i32) {
    %c0_i32 = arith.constant 0 : i32
    %c0_i32_0 = arith.constant 0 : i32
    return %c0_i32, %arg0 : i32, i32
  }
  func.func @transform_1(%arg0: i32) -> (i32, i32) {
    %c0_i32 = arith.constant 0 : i32
    %c0_i32_0 = arith.constant 0 : i32
    %c0_i32_1 = arith.constant 0 : i32
    return %c0_i32, %c0_i32_0 : i32, i32
  }
  func.func @transform_2(%arg0: i32) -> (i32, i32) {
    %c0_i32 = arith.constant 0 : i32
    %c0_i32_0 = arith.constant 0 : i32
    %c0_i32_1 = arith.constant 0 : i32
    return %c0_i32, %c0_i32_0 : i32, i32
  }
}

module attributes {stable_mosaic.version = 14 : i64} {
  func.func @_write_body(%arg0: i32, %arg1: memref<16x2048xbf16, #tpu.memory_space<vmem>>, %arg2: memref<16x1024xbf16, #tpu.memory_space<vmem>>, %arg3: memref<8x1024xf32, #tpu.memory_space<vmem>>, %arg4: memref<2048x1024xf32, #tpu.memory_space<vmem>>) attributes {dimension_semantics = [#tpu.dimension_semantics<arbitrary>], iteration_bounds = array<i64: 49>, scalar_prefetch = 0 : i64, scratch_operands = 0 : i64, tpu.core_type = #tpu.core_type<tc>, window_params = [{transform_indices = @transform_0, window_bounds = array<i64: 16, 2048>}, {pipeline_mode = #tpu.pipeline_mode<synchronous>, transform_indices = @transform_1, window_bounds = array<i64: 16, 1024>}, {pipeline_mode = #tpu.pipeline_mode<synchronous>, transform_indices = @transform_2, window_bounds = array<i64: 8, 1024>}, {transform_indices = @transform_3, window_bounds = array<i64: 2048, 1024>}]} {
    %get3A = arith.constant 0 : index
    %get3A_0 = arith.constant 0 : index
    %get3A_1 = vector.load %arg1[%get3A, %get3A_0] : memref<16x2048xbf16, #tpu.memory_space<vmem>>, vector<16x2048xbf16>
    %get3A_2 = arith.constant 0 : index
    %get3A_3 = arith.constant 0 : index
    %get3A_4 = vector.load %arg2[%get3A_2, %get3A_3] : memref<16x1024xbf16, #tpu.memory_space<vmem>>, vector<16x1024xbf16>
    %dot_general3A = arith.constant dense<0.000000e+00> : vector<2048x1024xf32>
    %dot_general3A_5 = tpu.matmul %get3A_1, %get3A_4, %dot_general3A {dimension_numbers = #tpu.dot_dimension_numbers<[0], [0], [1], [1], [0, 1, 1, 1], [], []>, transpose_lhs_hint = false} : vector<16x2048xbf16>, vector<16x1024xbf16>, vector<2048x1024xf32> -> vector<2048x1024xf32>
    %get3A_6 = arith.constant 0 : index
    %get3A_7 = arith.constant 0 : index
    %get3A_8 = vector.load %arg3[%get3A_6, %get3A_7] : memref<8x1024xf32, #tpu.memory_space<vmem>>, vector<1x1024xf32>
    %sub3A = vector.broadcast %get3A_8 : vector<1x1024xf32> to vector<2048x1024xf32>
    %sub3A_9 = arith.subf %dot_general3A_5, %sub3A : vector<2048x1024xf32>
    %swap3A = arith.constant 0 : index
    %swap3A_10 = arith.constant 0 : index
    %swap3A_11 = vector.load %arg4[%swap3A, %swap3A_10] : memref<2048x1024xf32, #tpu.memory_space<vmem>>, vector<2048x1024xf32>
    tpu.vector_store %arg4[%swap3A, %swap3A_10], %sub3A_9 {strides = array<i32>} : memref<2048x1024xf32, #tpu.memory_space<vmem>>, vector<2048x1024xf32>,
    return
  }
  func.func @transform_0(%arg0: i32) -> (i32, i32) {
    %c0_i32 = arith.constant 0 : i32
    %c0_i32_0 = arith.constant 0 : i32
    return %c0_i32, %arg0 : i32, i32
  }
  func.func @transform_1(%arg0: i32) -> (i32, i32) {
    %c0_i32 = arith.constant 0 : i32
    %c0_i32_0 = arith.constant 0 : i32
    %c0_i32_1 = arith.constant 0 : i32
    return %c0_i32, %c0_i32_0 : i32, i32
  }
  func.func @transform_2(%arg0: i32) -> (i32, i32) {
    %c0_i32 = arith.constant 0 : i32
    %c0_i32_0 = arith.constant 0 : i32
    %c0_i32_1 = arith.constant 0 : i32
    return %c0_i32, %c0_i32_0 : i32, i32
  }
  func.func @transform_3(%arg0: i32) -> (i32, i32) {
    %c0_i32 = arith.constant 0 : i32
    %c0_i32_0 = arith.constant 0 : i32
    return %arg0, %c0_i32 : i32, i32
  }
}

</mosaic_0001>

<sc_bundles>
// kernel: kernel.5.cloned.1.call-start
scs
__scs_entry_jumppad:
0x0: {  	(pc) =	sbr.rel $0x88, $3  }
0x1: {  	(tag) =	ssettag $0x0;
	lr =	simm.s32 $0x1  }
0x2: {  	[smem:$0x3F9E] =	sst lr;
	_ =	strace $0xD0000000  }
0x3: {  	_ = 	snop  }
0x4: {  	_ = 	snop  }
0x5: {  	_ = 	snop  }
0x6: {  	_ = 	snop  }
0x7: {  	_ = 	snop  }
__scs_overlays_trampoline_lowered:
0x8: {  	[smem:$0x3FAD] =	sst s0  }
0x9: {  	[smem:$0x3FAE] =	sst s1  }
0xa: {  	[smem:$0x3FAF] =	sst s2  }
0xb: {  	[smem:$0x3FB0] =	sst s3  }
0xc: {  	[smem:$0x3FB1] =	sst s4  }
0xd: {  	[smem:$0x3FB2] =	sst s5  }
0xe: {  	[smem:$0x3FB3] =	sst s6  }
0xf: {  	[smem:$0x3FB4] =	sst s7  }
0x10: {  	[smem:$0x3FB5] =	sst s8  }
0x11: {  	[smem:$0x3FB6] =	sst s9;
	s0 =	simm.s32 @!p0 $0x0  }
0x12: {  	s1 =	sld [smem:$0x3F9C];
	s0 =	simm.s32 @p0 $0x1  }
0x13: {  	[smem:$0x3FB7] =	sst s0;
	s0 =	simm.s32 @!p1 $0x0  }
0x14: {  	s2 =	sld [smem:$0x3F9B];
	s0 =	simm.s32 @p1 $0x1  }
0x15: {  	[smem:$0x3FB8] =	sst s0;
	s0 =	simm.s32 @!p2 $0x0  }
0x16: {  	s3 =	sld [smem:$0x3FDB];
	s0 =	simm.s32 @p2 $0x1  }
0x17: {  	s4 =	simm.s32 $0x1BF5;
	[smem:$0x3FBA] =	sst s0  }
0x18: {  	s0 =	sld [smem:$0x3F9D];
	_ =	swait.ge [sflag:s4], $0x0  }
0x19: {  	s7 =	sld [smem:$0x3F9E]  }
0x1a: {  	s8 =	sadd.s32 $0xFFFFE003, lr  }
0x1b: {  	s9 =	sadd.s32 $0xFFFFFEF7, lr;
	s5 =	simm.s32 $0xFFFFFFFF;
	p2 =	slt.u32 s8, $0xFFFFF086  }
0x1c: {  	p1 =	slt.u32 s9, $0xF7A;
	s5 =	simm.s32 @!p2 $0x0  }
0x1d: {  	s5 =	simm.s32 @p1 $0x1;
	p0 =	seq.s32 s7, s2  }
0x1e: {  	s7 =	smul.u32 @!p0 $0xF7A, s2;
	p2 =	seq.s32 @!p0 s5, $0x0  }
0x1f: {  	s9 =	smul.u32 $0xF7A, s1;
	s8 =	simm.s32 @!p0 $0x1BF5;
	p2 =	por !p2, p0  }
0x20: {  	[sflag:s8] =	ssyncset.s32 @!p0 $0xFFFFF086;
	s6 =	sadd.s32 @!p0 s3, s7;
	s7 =	simm.s32 @!p0 $0x108  }
0x21: {  	s3 =	sadd.s32 s3, s9;
	s6 =	sadd.s32 @!p0 $0x88, s6;
	s7 =	simm.s32 @p2 $0x1082  }
0x22: {  	[simem:s7], [sflag:s8] =	dma.local @!p0 [hbm:s6], $0xF7A  }
0x23: {  	s9 =	sor.u32 $0xD0000000, s2;
	s6 =	simm.s32 $0x108;
	_ =	swait.ge @!p0 [sflag:s8], $0x0  }
0x24: {  	s3 =	sadd.s32 $0x88, s3;
	s6 =	simm.s32 @!p1 $0x1082;
	[sflag:s4] =	ssyncset.s32 $0xFFFFF086  }
0x25: {  	[simem:s6], [sflag:s4] =	dma.local [hbm:s3], $0xF7A  }
0x26: {  	[smem:$0x3F9E] =	sst s1;
	(tag) =	ssettag s2;
	_ =	strace s9  }
0x27: {  	s1 =	sld [smem:$0x3FAE]  }
0x28: {  	s2 =	sld [smem:$0x3FAF]  }
0x29: {  	s4 =	sld [smem:$0x3FB1]  }
0x2a: {  	p0 =	seq.s32 s5, $0x0;
	s5 =	sld [smem:$0x3FB2]  }
0x2b: {  	s6 =	sld [smem:$0x3FB3]  }
0x2c: {  	s7 =	sld [smem:$0x3FB4]  }
0x2d: {  	s3 =	simm.s32 $0x108;
	s8 =	sld [smem:$0x3FB5]  }
0x2e: {  	s3 =	simm.s32 @!p0 $0x1082;
	s9 =	sld [smem:$0x3FB6]  }
0x2f: {  	lr =	sadd.s32 s0, s3;
	s0 =	sld [smem:$0x3FAD]  }
0x30: {  	s3 =	sld [smem:$0x3FB0]  }
0x31: {  	[smem:$0x3FB9] =	sst s10  }
0x32: {  	s10 =	sld [smem:$0x3FB7];
	_ =	sdelay $0x3  }
0x33: {  	p0 =	seq.s32 s10, $0x1;
	s10 =	sld [smem:$0x3FB9];
	_ =	sdelay $0x3  }
0x34: {  	[smem:$0x3FB9] =	sst s10  }
0x35: {  	s10 =	sld [smem:$0x3FB8];
	_ =	sdelay $0x3  }
0x36: {  	p1 =	seq.s32 s10, $0x1;
	s10 =	sld [smem:$0x3FB9];
	_ =	sdelay $0x3  }
0x37: {  	[smem:$0x3FB9] =	sst s10  }
0x38: {  	s10 =	sld [smem:$0x3FBA]  }
0x39: {  	_ = 	snop;
	(pc) =	sbr.ind lr, $3  }
0x3a: {  	_ = 	snop  }
0x3b: {  	_ = 	snop  }
0x3c: {  	p2 =	seq.s32 s10, $0x1;
	s10 =	sld [smem:$0x3FB9]  }
0x3d: {  	_ =	shalt  }
0x3e: {  	_ =	shalt  }
0x3f: {  	_ =	shalt  }
0x40: {  	_ =	shalt  }
0x41: {  	_ =	shalt  }
0x42: {  	_ =	shalt  }
0x43: {  	_ =	shalt  }
0x44: {  	_ =	shalt  }
0x45: {  	_ =	shalt  }
0x46: {  	_ =	shalt  }
0x47: {  	_ =	shalt  }
0x48: {  	_ =	shalt  }
0x49: {  	_ =	shalt  }
0x4a: {  	_ =	shalt  }
0x4b: {  	_ =	shalt  }
0x4c: {  	_ =	shalt  }
0x4d: {  	_ =	shalt  }
0x4e: {  	_ =	shalt  }
0x4f: {  	_ =	shalt  }
0x50: {  	_ =	shalt  }
0x51: {  	_ =	shalt  }
0x52: {  	_ =	shalt  }
0x53: {  	_ =	shalt  }
0x54: {  	_ =	shalt  }
0x55: {  	_ =	shalt  }
0x56: {  	_ =	shalt  }
0x57: {  	_ =	shalt  }
0x58: {  	_ =	shalt  }
0x59: {  	_ =	shalt  }
0x5a: {  	_ =	shalt  }
0x5b: {  	_ =	shalt  }
0x5c: {  	_ =	shalt  }
0x5d: {  	_ =	shalt  }
0x5e: {  	_ =	shalt  }
0x5f: {  	_ =	shalt  }
0x60: {  	_ =	shalt  }
0x61: {  	_ =	shalt  }
0x62: {  	_ =	shalt  }
0x63: {  	_ =	shalt  }
0x64: {  	_ =	shalt  }
0x65: {  	_ =	shalt  }
0x66: {  	_ =	shalt  }
0x67: {  	_ =	shalt  }
0x68: {  	_ =	shalt  }
0x69: {  	_ =	shalt  }
0x6a: {  	_ =	shalt  }
0x6b: {  	_ =	shalt  }
0x6c: {  	_ =	shalt  }
0x6d: {  	_ =	shalt  }
0x6e: {  	_ =	shalt  }
0x6f: {  	_ =	shalt  }
0x70: {  	_ =	shalt  }
0x71: {  	_ =	shalt  }
0x72: {  	_ =	shalt  }
0x73: {  	_ =	shalt  }
0x74: {  	_ =	shalt  }
0x75: {  	_ =	shalt  }
0x76: {  	_ =	shalt  }
0x77: {  	_ =	shalt  }
0x78: {  	_ =	shalt  }
0x79: {  	_ =	shalt  }
0x7a: {  	_ =	shalt  }
0x7b: {  	_ =	shalt  }
0x7c: {  	_ =	shalt  }
0x7d: {  	_ =	shalt  }
0x7e: {  	_ =	shalt  }
0x7f: {  	_ =	shalt  }
0x80: {  	_ =	shalt  }
0x81: {  	_ =	shalt  }
0x82: {  	_ =	shalt  }
0x83: {  	_ =	shalt  }
0x84: {  	_ =	shalt  }
0x85: {  	_ =	shalt  }
0x86: {  	_ =	shalt  }
0x87: {  	_ =	shalt  }
.Lfunc_end0:
.L_simem_size_0:
called_computation_lowered:
.L_overlay_start_0:
0x88: {  	s2 =	sld [smem:$0x3FD9]  }
0x89: {  	s3 =	sld [smem:$0x3FFE];
	_ =	sdelay $0x1  }
0x8a: {  	s1 =	srdreg.scid  }
0x8b: {  	s0 =	sand.u32 $0x1, s1  }
0x8c: {  	s17 =	sshll.u32 s0, $0xA;
	s2 =	sadd.s32 s3, s2  }
0x8d: {  	s2 =	sadd.s32 s2, s17  }
0x8e: {  	[smem:$0x3FC5] =	sst s2  }
0x8f: {  	_ = 	snop  }
0x90: {  	s2 =	sld [smem:$0x3FD0];
	(tm) =	ssettm $0x1  }
0x91: {  	s18 =	sld [smem:$0x3FFB];
	_ =	sdelay $0x3  }
0x92: {  	_ =	strace s18  }
0x93: {  	s3 =	sld [smem:$0x3FFC];
	_ =	sdelay $0x3  }
0x94: {  	_ =	strace s3  }
0x95: {  	s3 =	sld [smem:$0x3FFD];
	_ =	sdelay $0x3  }
0x96: {  	_ =	strace s3  }
0x97: {  	_ =	strace $0x8FFFFFFF  }
0x98: {  	s19 =	sld [smem:$0x3FDB];
	_ =	sdelay $0x1  }
0x99: {  	s4 =	simm.s32 $_scs_section_size  }
0x9a: {  	s5 =	simm.s32 $_size__tile_overlayer_lowered;
	s6 =	simm.s32 $_tile_overlayer_lowered  }
0x9b: {  	s22 =	simm.s32 $0x1BFF;
	s21 =	sshll.u32 s6, $0x1;
	s3 =	sadd.s32 s4, s19  }
0x9c: {  	s7 =	simm.s32 $0x0;
	s20 =	sshll.u32 s5, $0x1;
	s5 =	sadd.s32 s21, s3  }
0x9d: {  	[timem:s7], [sflag:s22] =	dma.local [hbm:s5], s20  }
0x9e: {  	_ =	swait.ge [sflag:s22], s20  }
0x9f: {  	s4 =	ssub.s32 $0x0, s20;
	[sflag:s22] =	ssyncset.done $0x0  }
0xa0: {  	[sflag:s22] =	ssyncadd.s32 s4;
	_ =	sdelay $0x1  }
0xa1: {  	s23 =	simm.s32 $0x1B8B  }
0xa2: {  	_ =	swait.ge [sflag:s23], $0x1  }
0xa3: {  	[sflag:s23] =	ssyncset.done $0x0  }
0xa4: {  	s25 =	simm.s32 $0x1B8E;
	s24 =	sld [smem:$0x3FFE];
	[sflag:s23] =	ssyncadd.s32 $0xFFFFFFFF  }
0xa5: {  	s26 =	simm.s32 $execute0_lowered;
	[smem:$0x3FD2] =	sst s25  }
0xa6: {  	s5 =	sshll.u32 s26, $0x1;
	_ =	strace $0x80000046;
	[dreg:$0x1] =	wrdreg $0xFFFFFFFF  }
0xa7: {  	s28 =	simm.s32 $_size_execute0_lowered;
	s3 =	sadd.s32 s3, s5;
	[dreg:$0x0] =	wrdreg $0x0  }
0xa8: {  	s5 =	sshll.u32 s28, $0x1;
	[dreg:$0x2] =	wrdreg s3  }
0xa9: {  	[dreg:$0x3] =	wrdreg s5  }
0xaa: {  	[dreg:$0x4] =	wrdreg $0xC0  }
0xab: {  	_ =	task [dreg:s7], $0x5FFFF  }
0xac: {  	[dreg:$0x1] =	wrdreg $0xFFFFFFFF  }
0xad: {  	[dreg:$0x0] =	wrdreg $0x60  }
0xae: {  	[dreg:$0x2] =	wrdreg s24  }
0xaf: {  	[dreg:$0x3] =	wrdreg s2  }
0xb0: {  	[dreg:$0x4] =	wrdreg $0x9  }
0xb1: {  	_ =	task.clear_ibuf [dreg:s7], $0x5FFFF;
	_ =	strace $0x90000046  }
0xb2: {  	s29 =	simm.s32 $0x9;
	_ =	strace $0x80000048  }
0xb3: {  	_ =	swait.ge [sflag:s29], $0x1  }
0xb4: {  	[sflag:s29] =	ssyncadd.s32 $0xFFFFFFFF  }
0xb5: {  	_ =	strace $0x90000048  }
0xb6: {  	_ =	sfence  }
0xb7: {  	s30 =	sld [smem:$0x0];
	_ =	sdelay $0x2  }
0xb8: {  	s31 =	sshll.u32 s1, $0xD;
	s1 =	sshrl.u32 s1, $0x2  }
0xb9: {  	s3 =	sand.u32 $0x4000, s31;
	s1 =	sadd.s32 s1, s30  }
0xba: {  	s0 =	sor.u32 s3, s0;
	s1 =	sshll.u32 s1, $0x11  }
0xbb: {  	s0 =	sor.u32 s1, s0  }
0xbc: {  	s0 =	sadd.s32 $0x8F2B, s0  }
0xbd: {  	[sflag:s0] =	ssyncadd.remote.s32 $0x1  }
0xbe: {  	_ =	sfence.sel $0xFFFF  }
0xbf: {  	[dreg:$0x0] =	wrdreg $0xFFFFFFFF;
	(pc) =	sbr.abs _section_cstart, $3  }
0xc0: {  	[dreg:$0x1] =	wrdreg $0xFFFFFFFF  }
0xc1: {  	_ =	task.clear_ibuf [dreg:s7], $0x2FFFF;
	_ =	strace $0x9FFFFFFF  }
0xc2: {  	(tm) =	ssettm $0x7FFFFFFF  }
0xc3: {  	_ =	shalt  }
tec
execute0_lowered:
.L_overlay_start_1:
0x0: {  	(tag) =	ssettag $0x1  }
0x1: {  	s4 =	rddreg [dreg:$0x0];
	s1 =	srdreg.scid  }
0x2: {  	s0 =	stileid.u32;
	s5 =	rddreg [dreg:$0x1]  }
0x3: {  	s2 =	simm.s32 $0x0;
	s9 =	simm.s32 $0x280;
	s10 =	simm.s32 $0xA80  }
0x4: {  	s11 =	simm.s32 $0x100;
	s12 =	simm.s32 $0x1280;
	s13 =	simm.s32 $0x180  }
0x5: {  	s14 =	simm.s32 $0x1A80;
	s15 =	simm.s32 $0x200;
	s16 =	simm.s32 $0x2280  }
0x6: {  	s17 =	simm.s32 $0x1;
	s18 =	simm.s32 $0x2A80;
	s19 =	simm.s32 $0x0  }
0x7: {  	s3 =	sand.u32 $0x1, s1;
	s6 =	sshll.u32 s0, $0x1;
	[smem:$0x7FF] =	sst s2  }
0x8: {  	s1 =	rddreg [dreg:$0x2];
	s6 =	sor.u32 s3, s6;
	_ =	strace $0x80000047  }
0x9: {  	s8 =	ssub.s32 $0x2, s3;
	s7 =	smul.u32 $0x50, s6;
	s6 =	sshll.u32 s6, $0x6  }
0xa: {  	s3 =	sadd.s32 $0x1600, s4;
	s31 =	sshrl.u32 s8, $0x1;
	s5 =	sadd.s32 s5, s6  }
0xb: {  	s4 =	sadd.s32 s7, s4;
	s7 =	ssub.s32 s8, s31;
	s8 =	simm.s32 $0x80  }
0xc: {  	s4 =	sadd.s32 $0xC00, s4;
	s6 =	smax.u32 s7, $0x1;
	s7 =	simm.s32 $0x2  }
.LBB2_1:
0xd: {  	[tilespmem:s2], [sflag:$0x2] =	stream.linear.gather [hbm4b:s4+s2], $0x280, $0x38;
	[tilespmem:$0x2C80] =	vst v63  }
0xe: {  	_ =	swait.ge [sflag:s7], $0x280  }
0xf: {  	[sflag:s7] =	ssyncset.done $0x0  }
0x10: {  	[sflag:s7] =	ssyncadd.s32 $0xFFFFFD80  }
0x11: {  	[tilespmem:s9], [sflag:$0x1] =	stream.indirect.gather [hbm4b:s3+s8], $0x10, s2, s8, $0xb8;
	[tilespmem:$0x2C80] =	vst v63  }
0x12: {  	_ = 	snop  }
0x13: {  	[tilespmem:s10], [sflag:$0x1] =	stream.indirect.gather [hbm4b:s3+s8], $0x10, s8, s8, $0xb8;
	[tilespmem:$0x2C80] =	vst v63  }
0x14: {  	_ = 	snop  }
0x15: {  	[tilespmem:s12], [sflag:$0x1] =	stream.indirect.gather [hbm4b:s3+s8], $0x10, s11, s8, $0xb8;
	[tilespmem:$0x2C80] =	vst v63  }
0x16: {  	_ = 	snop  }
0x17: {  	[tilespmem:s14], [sflag:$0x1] =	stream.indirect.gather [hbm4b:s3+s8], $0x10, s13, s8, $0xb8;
	[tilespmem:$0x2C80] =	vst v63  }
0x18: {  	_ = 	snop  }
0x19: {  	[tilespmem:s16], [sflag:$0x1] =	stream.indirect.gather [hbm4b:s3+s8], $0x10, s15, s8, $0xb8;
	[tilespmem:$0x2C80] =	vst v63  }
0x1a: {  	_ =	swait.ge [sflag:s17], $0x800  }
0x1b: {  	[sflag:s17] =	ssyncset.done $0x0  }
0x1c: {  	[sflag:s17] =	ssyncadd.s32 $0xFFFFF800  }
0x1d: {  	_ =	swait.ge [sflag:s17], $0x800  }
0x1e: {  	[sflag:s17] =	ssyncset.done $0x0  }
0x1f: {  	[sflag:s17] =	ssyncadd.s32 $0xFFFFF800  }
0x20: {  	_ =	swait.ge [sflag:s17], $0x800  }
0x21: {  	[sflag:s17] =	ssyncset.done $0x0  }
0x22: {  	[sflag:s17] =	ssyncadd.s32 $0xFFFFF800  }
0x23: {  	_ =	swait.ge [sflag:s17], $0x800  }
0x24: {  	[sflag:s17] =	ssyncset.done $0x0  }
0x25: {  	[sflag:s17] =	ssyncadd.s32 $0xFFFFF800  }
0x26: {  	_ =	swait.ge [sflag:s17], $0x800  }
0x27: {  	[sflag:s17] =	ssyncset.done $0x0  }
0x28: {  	s21 =	simm.s32 $0x320;
	[sflag:s17] =	ssyncadd.s32 $0xFFFFF800  }
0x29: {  	v0 =	vld [tilespmem:s21+$0xFFFFFF70]  }
0x2a: {  	s22 =	simm.s32 $0x40;
	s20 =	simm.s32 $0x0;
	v1 =	vld [tilespmem:s21+$0xFFFFFF60]  }
.LBB2_2:
0x2b: {  	p0 =	sne.s32 s22, $0x7C0  }
0x2c: {  	v2 =	vld [tilespmem:s21+$0xFFFFFF80];
	_ =	sdelay $0x1  }
0x2d: {  	v3 =	vld [tilespmem:s21+$0xFFFFFF90]  }
0x2e: {  	v0 =	vadd.f32 v0, v1  }
0x2f: {  	v1 =	vld [tilespmem:s21+$0xFFFFFFA0]  }
0x30: {  	v0 =	vadd.f32 v2, v0  }
0x31: {  	v2 =	vld [tilespmem:s21+$0xFFFFFFB0]  }
0x32: {  	v0 =	vadd.f32 v3, v0  }
0x33: {  	v3 =	vld [tilespmem:s21+$0xFFFFFFC0]  }
0x34: {  	v0 =	vadd.f32 v1, v0  }
0x35: {  	v1 =	vld [tilespmem:s21+$0xFFFFFFD0]  }
0x36: {  	v0 =	vadd.f32 v2, v0  }
0x37: {  	v2 =	vld [tilespmem:s21+$0xFFFFFFE0]  }
0x38: {  	v0 =	vadd.f32 v3, v0  }
0x39: {  	v3 =	vld [tilespmem:s21+$0xFFFFFFF0]  }
0x3a: {  	v0 =	vadd.f32 v1, v0  }
0x3b: {  	v1 =	vld [tilespmem:s21+$0x0]  }
0x3c: {  	v0 =	vadd.f32 v2, v0  }
0x3d: {  	v2 =	vld [tilespmem:s21+$0x10]  }
0x3e: {  	v0 =	vadd.f32 v3, v0  }
0x3f: {  	v3 =	vld [tilespmem:s21+$0x20]  }
0x40: {  	v0 =	vadd.f32 v1, v0  }
0x41: {  	v1 =	vld [tilespmem:s21+$0x30]  }
0x42: {  	v0 =	vadd.f32 v2, v0  }
0x43: {  	v2 =	vld [tilespmem:s21+$0x40]  }
0x44: {  	v0 =	vadd.f32 v3, v0  }
0x45: {  	v3 =	vld [tilespmem:s21+$0x50]  }
0x46: {  	v0 =	vadd.f32 v1, v0  }
0x47: {  	v1 =	vld [tilespmem:s21+$0x60]  }
0x48: {  	v0 =	vadd.f32 v2, v0  }
0x49: {  	v2 =	vld [tilespmem:s21+$0x70]  }
0x4a: {  	v0 =	vadd.f32 v3, v0  }
0x4b: {  	v3 =	vld [tilespmem:s21+$0x80]  }
0x4c: {  	v0 =	vadd.f32 v1, v0  }
0x4d: {  	v1 =	vld [tilespmem:s21+$0x90]  }
0x4e: {  	v0 =	vadd.f32 v2, v0;
	_ =	sdelay $0x1  }
0x4f: {  	v0 =	vadd.f32 v3, v0;
	_ =	sdelay $0x1  }
0x50: {  	v0 =	vadd.f32 v1, v0;
	_ =	sdelay $0x1  }
.Ltmp0:
0x51: {  	v0 =	vmul.f32 $5.000000070e-02, v0;
	(pc) =	sbr.rel @p0 .LBB2_2-.Ltmp0, $4  }
0x52: {  	s23 =	sshra.s32 s20, $0x2;
	s20 =	smov.u32 s22  }
0x53: {  	s21 =	sadd.s32 $0x140, s21;
	[tilespmem:s23+$0x2A80] =	vst v0  }
0x54: {  	v0 =	vld [tilespmem:s21+$0xFFFFFF70]  }
0x55: {  	s22 =	sadd.s32 $0x40, s22;
	v1 =	vld [tilespmem:s21+$0xFFFFFF60]  }
0x56: {  	_ = 	snop  }
0x57: {  	v2 =	vld [tilespmem:s21+$0xFFFFFF80];
	_ =	sdelay $0x1  }
0x58: {  	v3 =	vld [tilespmem:s21+$0xFFFFFF90]  }
0x59: {  	v0 =	vadd.f32 v0, v1  }
0x5a: {  	v48 =	vld [tilespmem:s21+$0xFFFFFFA0]  }
0x5b: {  	v0 =	vadd.f32 v2, v0  }
0x5c: {  	v49 =	vld [tilespmem:s21+$0xFFFFFFB0]  }
0x5d: {  	v0 =	vadd.f32 v3, v0  }
0x5e: {  	v50 =	vld [tilespmem:s21+$0xFFFFFFC0]  }
0x5f: {  	v0 =	vadd.f32 v48, v0  }
0x60: {  	v51 =	vld [tilespmem:s21+$0xFFFFFFD0]  }
0x61: {  	v0 =	vadd.f32 v49, v0  }
0x62: {  	v52 =	vld [tilespmem:s21+$0xFFFFFFE0]  }
0x63: {  	v0 =	vadd.f32 v50, v0  }
0x64: {  	v53 =	vld [tilespmem:s21+$0xFFFFFFF0]  }
0x65: {  	v0 =	vadd.f32 v51, v0  }
0x66: {  	v54 =	vld [tilespmem:s21+$0x0]  }
0x67: {  	v0 =	vadd.f32 v52, v0  }
0x68: {  	v55 =	vld [tilespmem:s21+$0x10]  }
0x69: {  	v0 =	vadd.f32 v53, v0  }
0x6a: {  	v56 =	vld [tilespmem:s21+$0x20]  }
0x6b: {  	v0 =	vadd.f32 v54, v0  }
0x6c: {  	v57 =	vld [tilespmem:s21+$0x30]  }
0x6d: {  	v0 =	vadd.f32 v55, v0  }
0x6e: {  	v58 =	vld [tilespmem:s21+$0x40]  }
0x6f: {  	v0 =	vadd.f32 v56, v0  }
0x70: {  	v59 =	vld [tilespmem:s21+$0x50]  }
0x71: {  	v0 =	vadd.f32 v57, v0  }
0x72: {  	v60 =	vld [tilespmem:s21+$0x60]  }
0x73: {  	v0 =	vadd.f32 v58, v0  }
0x74: {  	v61 =	vld [tilespmem:s21+$0x70]  }
0x75: {  	v0 =	vadd.f32 v59, v0  }
0x76: {  	v62 =	vld [tilespmem:s21+$0x80]  }
0x77: {  	v0 =	vadd.f32 v60, v0  }
0x78: {  	v63 =	vld [tilespmem:s21+$0x90]  }
0x79: {  	v0 =	vadd.f32 v61, v0;
	_ =	sdelay $0x1  }
0x7a: {  	v0 =	vadd.f32 v62, v0;
	_ =	sdelay $0x1  }
0x7b: {  	v0 =	vadd.f32 v63, v0;
	_ =	sdelay $0x1  }
0x7c: {  	s19 =	sadd.s32 $0x1, s19;
	v0 =	vmul.f32 $5.000000070e-02, v0  }
0x7d: {  	s20 =	sshra.s32 s20, $0x2;
	p0 =	sne.s32 s19, s6  }
.Ltmp1:
0x7e: {  	[tilespmem:s20+$0x2A80] =	vst v0;
	(pc) =	sbr.rel @p0 .LBB2_1-.Ltmp1, $4  }
0x7f: {  	[hbm4b:s5+s2] =	stream.linear.scatter [tilespmem:s18], [sflag:$0x2], $0x200, $0x38;
	[tilespmem:$0x2C80] =	vst v63  }
0x80: {  	_ =	swait.ge [sflag:s7], $0x200  }
0x81: {  	[sflag:s7] =	ssyncset.done $0x0  }
0x82: {  	[sflag:s7] =	ssyncadd.s32 $0xFFFFFE00  }
0x83: {  	_ =	sfence.sel $0x180000  }
0x84: {  	[bflag:$0x0] =	sbarrier.arrive $0xFFFF  }
0x85: {  	p0 =	sne.s32 s0, $0x0;
	_ =	strace $0x90000047  }
0x86: {  	s0 =	sadd.s32 @!p0 $0x100000, s1;
	[bflag:$0x2] =	sbarrier.arrive $0xFFFF  }
0x87: {  	[sflag:s0] =	ssyncadd.tile.s32 @!p0 $0x1;
	_ =	shalt  }
.Lfunc_end2:
_tile_overlayer_lowered:
.L_overlay_start_2:
0x88: {  	(tag) =	ssettag $0x2  }
0x89: {  	s0 =	rddreg [dreg:$0x0];
	s2 =	stileid.u32  }
0x8a: {  	s1 =	rddreg [dreg:$0x1];
	p0 =	sne.s32 s2, $0x0  }
0x8b: {  	s3 =	rddreg [dreg:$0x2];
	[bflag:$0x3] =	sbarrier.arrive $0xFFFF;
	s2 =	simm.s32 @!p0 $0x1C02  }
0x8c: {  	[timem:s3], [sflag:s2] =	dma.local @!p0 [hbm:s0], s1  }
0x8d: {  	s0 =	simm.s32 @!p0 $0x2  }
0x8e: {  	_ =	swait.ge @!p0 [sflag:s0], s1  }
0x8f: {  	s1 =	ssub.s32 @!p0 $0x0, s1;
	[sflag:s0] =	ssyncset.done @!p0 $0x0  }
0x90: {  	[sflag:s0] =	ssyncadd.s32 @!p0 s1  }
0x91: {  	[bflag:$0x3] =	sbarrier.arrive $0xFFFF  }
0x92: {  	_ =	shalt  }

</sc_bundles>
